<compile_context>
chip_gen: v7x
topology: tpu7x:2x2x1
jax: 0.10.2.dev20260603
libtpu: 0.0.44.dev20260713+nightly
codegen_flags: <defaults>
</compile_context>

<pallas_src>
import jax
import jax.numpy as jnp
import numpy as np
from jax.experimental import pallas as pl

_NUM_ANCHORS = 3
_NUM_CLASSES = 80
_STRIDE = 16.0
_G = 64
_S = _G * _G
_CH = _NUM_CLASSES + 5
_ANCHORS = ((0.12, 0.16), (0.30, 0.38), (0.72, 0.55))
_AW16 = tuple(float(np.float32(a[0]) * _G * _STRIDE) for a in _ANCHORS)
_AH16 = tuple(float(np.float32(a[1]) * _G * _STRIDE) for a in _ANCHORS)


def _yolo_body(x_ref, boxes_ref, conf_ref, cls_ref):
    a = pl.program_id(0) % _NUM_ANCHORS
    xf = x_ref[0]

    head = xf[0:8]
    r = jax.lax.broadcasted_iota(jnp.int32, (8, _S), 0)
    head_act = jnp.where((r == 2) | (r == 3), jnp.exp(head),
                         jax.nn.sigmoid(head))
    tail_act = jax.nn.sigmoid(xf[8:_CH])
    act = jnp.concatenate([head_act, tail_act], axis=0)

    conf_ref[0] = act[4:5]

    act_t = act.T

    s = jax.lax.broadcasted_iota(jnp.int32, (_S, 1), 0)
    gx = (s & (_G - 1)).astype(jnp.float32)
    gy = (s >> 6).astype(jnp.float32)
    aw16 = jnp.where(a == 0, _AW16[0], jnp.where(a == 1, _AW16[1], _AW16[2]))
    ah16 = jnp.where(a == 0, _AH16[0], jnp.where(a == 1, _AH16[1], _AH16[2]))
    col = jax.lax.broadcasted_iota(jnp.int32, (_S, 4), 1)
    offs = jnp.where(col == 0, gx, jnp.where(col == 1, gy, 0.0))
    scale = jnp.where(col == 0, _STRIDE,
                      jnp.where(col == 1, _STRIDE,
                                jnp.where(col == 2, aw16, ah16)))
    boxes_ref[0] = (act_t[:, 0:4] + offs) * scale

    cls_ref[0] = act_t[:, 5:_CH]


def kernel(x):
    B = x.shape[0]
    n = B * _NUM_ANCHORS
    xr = x.reshape(n, _CH, _S)

    boxes, conf, cls = pl.pallas_call(
        _yolo_body,
        grid=(n,),
        in_specs=[pl.BlockSpec((1, _CH, _S), lambda i: (i, 0, 0))],
        out_specs=[
            pl.BlockSpec((1, _S, 4), lambda i: (i, 0, 0)),
            pl.BlockSpec((1, 1, _S), lambda i: (i, 0, 0)),
            pl.BlockSpec((1, _S, _NUM_CLASSES), lambda i: (i, 0, 0)),
        ],
        out_shape=[
            jax.ShapeDtypeStruct((n, _S, 4), jnp.float32),
            jax.ShapeDtypeStruct((n, 1, _S), jnp.float32),
            jax.ShapeDtypeStruct((n, _S, _NUM_CLASSES), jnp.float32),
        ],
    )(xr)

    out_boxes = boxes.reshape(B, _NUM_ANCHORS * _S, 4)
    out_conf = conf.reshape(B, _NUM_ANCHORS * _S, 1)
    out_cls = cls.reshape(B, _NUM_ANCHORS * _S, _NUM_CLASSES)
    return (out_boxes, out_conf, out_cls)

# --- scband reference (transcript-rebuilt; emitter-appended) ---
"""Pipeline reference for scband-yololayer-30030411333645 (READ-ONLY COPY).

The authoritative reference and input builder live on the scoring server;
editing this copy changes nothing except your own understanding.
"""

import jax, jax.numpy as jnp
import numpy as np

ANCHORS = [(0.12, 0.16), (0.30, 0.38), (0.72, 0.55)]
NUM_ANCHORS = 3
NUM_CLASSES = 80
STRIDE = 16


def setup_inputs(seed: int = 0) -> dict:
    key = jax.random.key(seed)
    x = jax.random.normal(key, (16, NUM_ANCHORS * (NUM_CLASSES + 5), 64, 64), dtype=jnp.float32)
    return {"x": x}


def reference(x):
    B = x.shape[0]
    nA = NUM_ANCHORS
    nC = NUM_CLASSES
    g0, g1 = x.shape[2], x.shape[3]
    # prediction = x.view(B, nA, nC+5, g0, g1).permute(0,1,3,4,2)
    pred = x.reshape(B, nA, nC + 5, g0, g1).transpose(0, 1, 3, 4, 2)
    px = jax.nn.sigmoid(pred[..., 0])
    py = jax.nn.sigmoid(pred[..., 1])
    w = pred[..., 2]
    h = pred[..., 3]
    pred_conf = jax.nn.sigmoid(pred[..., 4])
    pred_cls = jax.nn.sigmoid(pred[..., 5:])
    # compute_grid_offsets
    grid_x = jnp.tile(jnp.arange(g0, dtype=jnp.float32), (g1, 1)).reshape(1, 1, g0, g1)
    grid_y = jnp.tile(jnp.arange(g1, dtype=jnp.float32), (g0, 1)).T.reshape(1, 1, g0, g1)
    scaled_anchors = jnp.array([(a_w * g0, a_h * g1) for a_w, a_h in ANCHORS], dtype=jnp.float32)
    anchor_w = scaled_anchors[:, 0:1].reshape(1, nA, 1, 1)
    anchor_h = scaled_anchors[:, 1:2].reshape(1, nA, 1, 1)
    # pred_boxes built from .data (detached) values in the torch code
    bx = jax.lax.stop_gradient(px) + grid_x
    by = jax.lax.stop_gradient(py) + grid_y
    bw = jnp.exp(jax.lax.stop_gradient(w)) * anchor_w
    bh = jnp.exp(jax.lax.stop_gradient(h)) * anchor_h
    pred_boxes = jnp.stack([bx, by, bw, bh], axis=-1)
    out_boxes = pred_boxes.reshape(B, -1, 4) * STRIDE
    out_conf = pred_conf.reshape(B, -1, 1)
    out_cls = pred_cls.reshape(B, -1, nC)
    return (out_boxes, out_conf, out_cls)

if __name__ == "__main__":
    import jax
    _d = setup_inputs()
    print(jax.jit(kernel)(*tuple(_d.values())))

</pallas_src>

<mosaic_0001>
module attributes {stable_mosaic.version = 14 : i64} {
  func.func @_yolo_body(%arg0: i32, %arg1: memref<1x85x4096xf32, #tpu.memory_space<vmem>>, %arg2: memref<1x4096x4xf32, #tpu.memory_space<vmem>>, %arg3: memref<1x1x4096xf32, #tpu.memory_space<vmem>>, %arg4: memref<1x4096x80xf32, #tpu.memory_space<vmem>>) attributes {dimension_semantics = [#tpu.dimension_semantics<arbitrary>], iteration_bounds = array<i64: 48>, scalar_prefetch = 0 : i64, scratch_operands = 0 : i64, tpu.core_type = #tpu.core_type<tc>, window_params = [{transform_indices = @transform_0, window_bounds = array<i64: 1, 85, 4096>}, {transform_indices = @transform_1, window_bounds = array<i64: 1, 4096, 4>}, {transform_indices = @transform_2, window_bounds = array<i64: 1, 1, 4096>}, {transform_indices = @transform_3, window_bounds = array<i64: 1, 4096, 80>}]} {
    %jit3A = arith.constant 3 : i32
    %eq3A = arith.constant 0 : i32
    %eq3A_0 = arith.cmpi eq, %jit3A, %eq3A : i32
    %jit3A_1 = arith.constant 1 : i32
    %select_n3A = arith.select %eq3A_0, %jit3A_1, %jit3A : i32
    %rem3A = arith.remsi %arg0, %select_n3A : i32
    %ne3A = arith.constant 0 : i32
    %ne3A_2 = arith.cmpi ne, %rem3A, %ne3A : i32
    %lt3A = arith.constant 0 : i32
    %lt3A_3 = arith.cmpi slt, %rem3A, %lt3A : i32
    %lt3A_4 = arith.constant 0 : i32
    %lt3A_5 = arith.cmpi slt, %select_n3A, %lt3A_4 : i32
    %ne3A_6 = arith.xori %lt3A_3, %lt3A_5 : i1
    %and3A = arith.andi %ne3A_6, %ne3A_2 : i1
    %add3A = arith.addi %rem3A, %select_n3A : i32
    %select_n3A_7 = arith.select %and3A, %add3A, %rem3A : i32
    %get3A = arith.constant 0 : index
    %get3A_8 = arith.constant 0 : index
    %get3A_9 = arith.constant 0 : index
    %get3A_10 = vector.load %arg1[%get3A, %get3A_8, %get3A_9] : memref<1x85x4096xf32, #tpu.memory_space<vmem>>, vector<1x85x4096xf32>
    %get3A_11 = vector.shape_cast %get3A_10 : vector<1x85x4096xf32> to vector<85x4096xf32>
    %slice3A = vector.extract_strided_slice %get3A_11 {offsets = [0, 0], sizes = [8, 4096], strides = [1, 1]} : vector<85x4096xf32> to vector<8x4096xf32>
    %iota3A = tpu.iota {dimensions = array<i32: 0>} : vector<8x4096xi32>
    %eq3A_12 = arith.constant 2 : i32
    %eq3A_13 = vector.broadcast %eq3A_12 : i32 to vector<8x4096xi32>
    %eq3A_14 = arith.cmpi eq, %iota3A, %eq3A_13 : vector<8x4096xi32>
    %eq3A_15 = arith.constant 3 : i32
    %eq3A_16 = vector.broadcast %eq3A_15 : i32 to vector<8x4096xi32>
    %eq3A_17 = arith.cmpi eq, %iota3A, %eq3A_16 : vector<8x4096xi32>
    %or3A = arith.ori %eq3A_14, %eq3A_17 : vector<8x4096xi1>
    %exp3A = math.exp %slice3A : vector<8x4096xf32>
    %logistic3A = arith.negf %slice3A : vector<8x4096xf32>
    %logistic3A_18 = math.exp %logistic3A : vector<8x4096xf32>
    %logistic3A_19 = arith.constant 1.000000e+00 : f32
    %logistic3A_20 = vector.broadcast %logistic3A_19 : f32 to vector<8x4096xf32>
    %logistic3A_21 = arith.addf %logistic3A_20, %logistic3A_18 : vector<8x4096xf32>
    %logistic3A_22 = arith.divf %logistic3A_20, %logistic3A_21 : vector<8x4096xf32>
    %select_n3A_23 = arith.select %or3A, %exp3A, %logistic3A_22 : vector<8x4096xi1>, vector<8x4096xf32>
    %slice3A_24 = vector.extract_strided_slice %get3A_11 {offsets = [8, 0], sizes = [77, 4096], strides = [1, 1]} : vector<85x4096xf32> to vector<77x4096xf32>
    %logistic3A_25 = arith.negf %slice3A_24 : vector<77x4096xf32>
    %logistic3A_26 = math.exp %logistic3A_25 : vector<77x4096xf32>
    %logistic3A_27 = arith.constant 1.000000e+00 : f32
    %logistic3A_28 = vector.broadcast %logistic3A_27 : f32 to vector<77x4096xf32>
    %logistic3A_29 = arith.addf %logistic3A_28, %logistic3A_26 : vector<77x4096xf32>
    %logistic3A_30 = arith.divf %logistic3A_28, %logistic3A_29 : vector<77x4096xf32>
    %concatenate3A = tpu.concatenate %select_n3A_23, %logistic3A_30 in 0 : vector<8x4096xf32>, vector<77x4096xf32> -> vector<85x4096xf32>
    %slice3A_31 = vector.extract_strided_slice %concatenate3A {offsets = [4, 0], sizes = [1, 4096], strides = [1, 1]} : vector<85x4096xf32> to vector<1x4096xf32>
    %swap3A = arith.constant 0 : index
    %swap3A_32 = arith.constant 0 : index
    %swap3A_33 = arith.constant 0 : index
    %swap3A_34 = vector.load %arg3[%swap3A, %swap3A_32, %swap3A_33] : memref<1x1x4096xf32, #tpu.memory_space<vmem>>, vector<1x1x4096xf32>
    %swap3A_35 = vector.shape_cast %swap3A_34 : vector<1x1x4096xf32> to vector<1x4096xf32>
    %swap3A_36 = vector.shape_cast %slice3A_31 : vector<1x4096xf32> to vector<1x1x4096xf32>
    tpu.vector_store %arg3[%swap3A, %swap3A_32, %swap3A_33], %swap3A_36 {strides = array<i32>} : memref<1x1x4096xf32, #tpu.memory_space<vmem>>, vector<1x1x4096xf32>,
    %transpose3A = tpu.transpose %concatenate3A, [1, 0] : vector<85x4096xf32> -> vector<4096x85xf32>
    %iota3A_37 = tpu.iota {dimensions = array<i32: 0>} : vector<4096x1xi32>
    %and3A_38 = arith.constant 63 : i32
    %and3A_39 = vector.broadcast %and3A_38 : i32 to vector<4096x1xi32>
    %and3A_40 = arith.andi %iota3A_37, %and3A_39 : vector<4096x1xi32>
    %convert_element_type3A = arith.sitofp %and3A_40 : vector<4096x1xi32> to vector<4096x1xf32>
    %shift_right_arithmetic3A = arith.constant 6 : i32
    %shift_right_arithmetic3A_41 = vector.broadcast %shift_right_arithmetic3A : i32 to vector<4096x1xi32>
    %shift_right_arithmetic3A_42 = arith.shrsi %iota3A_37, %shift_right_arithmetic3A_41 : vector<4096x1xi32>
    %convert_element_type3A_43 = arith.sitofp %shift_right_arithmetic3A_42 : vector<4096x1xi32> to vector<4096x1xf32>
    %eq3A_44 = arith.constant 0 : i32
    %eq3A_45 = arith.cmpi eq, %select_n3A_7, %eq3A_44 : i32
    %eq3A_46 = arith.constant 1 : i32
    %eq3A_47 = arith.cmpi eq, %select_n3A_7, %eq3A_46 : i32
    %jit3A_48 = arith.constant 3.072000e+02 : f32
    %jit3A_49 = arith.constant 7.372800e+02 : f32
    %select_n3A_50 = arith.select %eq3A_47, %jit3A_48, %jit3A_49 : f32
    %jit3A_51 = arith.constant 1.228800e+02 : f32
    %select_n3A_52 = arith.select %eq3A_45, %jit3A_51, %select_n3A_50 : f32
    %eq3A_53 = arith.constant 0 : i32
    %eq3A_54 = arith.cmpi eq, %select_n3A_7, %eq3A_53 : i32
    %eq3A_55 = arith.constant 1 : i32
    %eq3A_56 = arith.cmpi eq, %select_n3A_7, %eq3A_55 : i32
    %jit3A_57 = arith.constant 3.891200e+02 : f32
    %jit3A_58 = arith.constant 5.632000e+02 : f32
    %select_n3A_59 = arith.select %eq3A_56, %jit3A_57, %jit3A_58 : f32
    %jit3A_60 = arith.constant 1.638400e+02 : f32
    %select_n3A_61 = arith.select %eq3A_54, %jit3A_60, %select_n3A_59 : f32
    %iota3A_62 = tpu.iota {dimensions = array<i32: 1>} : vector<4096x4xi32>
    %eq3A_63 = arith.constant 0 : i32
    %eq3A_64 = vector.broadcast %eq3A_63 : i32 to vector<4096x4xi32>
    %eq3A_65 = arith.cmpi eq, %iota3A_62, %eq3A_64 : vector<4096x4xi32>
    %eq3A_66 = arith.constant 1 : i32
    %eq3A_67 = vector.broadcast %eq3A_66 : i32 to vector<4096x4xi32>
    %eq3A_68 = arith.cmpi eq, %iota3A_62, %eq3A_67 : vector<4096x4xi32>
    %jit3A_69 = arith.constant 0.000000e+00 : f32
    %broadcast_in_dim3A = vector.shape_cast %convert_element_type3A_43 : vector<4096x1xf32> to vector<4096x1xf32>
    %broadcast_in_dim3A_70 = vector.broadcast %broadcast_in_dim3A : vector<4096x1xf32> to vector<4096x4xf32>
    %broadcast_in_dim3A_71 = vector.broadcast %jit3A_69 : f32 to vector<4096x4xf32>
    %select_n3A_72 = arith.select %eq3A_68, %broadcast_in_dim3A_70, %broadcast_in_dim3A_71 : vector<4096x4xi1>, vector<4096x4xf32>
    %broadcast_in_dim3A_73 = vector.shape_cast %convert_element_type3A : vector<4096x1xf32> to vector<4096x1xf32>
    %broadcast_in_dim3A_74 = vector.broadcast %broadcast_in_dim3A_73 : vector<4096x1xf32> to vector<4096x4xf32>
    %select_n3A_75 = arith.select %eq3A_65, %broadcast_in_dim3A_74, %select_n3A_72 : vector<4096x4xi1>, vector<4096x4xf32>
    %eq3A_76 = arith.constant 0 : i32
    %eq3A_77 = vector.broadcast %eq3A_76 : i32 to vector<4096x4xi32>
    %eq3A_78 = arith.cmpi eq, %iota3A_62, %eq3A_77 : vector<4096x4xi32>
    %eq3A_79 = arith.constant 1 : i32
    %eq3A_80 = vector.broadcast %eq3A_79 : i32 to vector<4096x4xi32>
    %eq3A_81 = arith.cmpi eq, %iota3A_62, %eq3A_80 : vector<4096x4xi32>
    %eq3A_82 = arith.constant 2 : i32
    %eq3A_83 = vector.broadcast %eq3A_82 : i32 to vector<4096x4xi32>
    %eq3A_84 = arith.cmpi eq, %iota3A_62, %eq3A_83 : vector<4096x4xi32>
    %broadcast_in_dim3A_85 = vector.broadcast %select_n3A_52 : f32 to vector<4096x4xf32>
    %broadcast_in_dim3A_86 = vector.broadcast %select_n3A_61 : f32 to vector<4096x4xf32>
    %select_n3A_87 = arith.select %eq3A_84, %broadcast_in_dim3A_85, %broadcast_in_dim3A_86 : vector<4096x4xi1>, vector<4096x4xf32>
    %jit3A_88 = arith.constant 1.600000e+01 : f32
    %broadcast_in_dim3A_89 = vector.broadcast %jit3A_88 : f32 to vector<4096x4xf32>
    %select_n3A_90 = arith.select %eq3A_81, %broadcast_in_dim3A_89, %select_n3A_87 : vector<4096x4xi1>, vector<4096x4xf32>
    %jit3A_91 = arith.constant 1.600000e+01 : f32
    %broadcast_in_dim3A_92 = vector.broadcast %jit3A_91 : f32 to vector<4096x4xf32>
    %select_n3A_93 = arith.select %eq3A_78, %broadcast_in_dim3A_92, %select_n3A_90 : vector<4096x4xi1>, vector<4096x4xf32>
    %slice3A_94 = vector.extract_strided_slice %transpose3A {offsets = [0, 0], sizes = [4096, 4], strides = [1, 1]} : vector<4096x85xf32> to vector<4096x4xf32>
    %add3A_95 = arith.addf %slice3A_94, %select_n3A_75 : vector<4096x4xf32>
    %mul3A = arith.mulf %add3A_95, %select_n3A_93 : vector<4096x4xf32>
    %swap3A_96 = arith.constant 0 : index
    %swap3A_97 = arith.constant 0 : index
    %swap3A_98 = arith.constant 0 : index
    %swap3A_99 = vector.load %arg2[%swap3A_96, %swap3A_97, %swap3A_98] : memref<1x4096x4xf32, #tpu.memory_space<vmem>>, vector<1x4096x4xf32>
    %swap3A_100 = vector.shape_cast %swap3A_99 : vector<1x4096x4xf32> to vector<4096x4xf32>
    %swap3A_101 = vector.shape_cast %mul3A : vector<4096x4xf32> to vector<1x4096x4xf32>
    tpu.vector_store %arg2[%swap3A_96, %swap3A_97, %swap3A_98], %swap3A_101 {strides = array<i32>} : memref<1x4096x4xf32, #tpu.memory_space<vmem>>, vector<1x4096x4xf32>,
    %slice3A_102 = vector.extract_strided_slice %transpose3A {offsets = [0, 5], sizes = [4096, 80], strides = [1, 1]} : vector<4096x85xf32> to vector<4096x80xf32>
    %swap3A_103 = arith.constant 0 : index
    %swap3A_104 = arith.constant 0 : index
    %swap3A_105 = arith.constant 0 : index
    %swap3A_106 = vector.load %arg4[%swap3A_103, %swap3A_104, %swap3A_105] : memref<1x4096x80xf32, #tpu.memory_space<vmem>>, vector<1x4096x80xf32>
    %swap3A_107 = vector.shape_cast %swap3A_106 : vector<1x4096x80xf32> to vector<4096x80xf32>
    %swap3A_108 = vector.shape_cast %slice3A_102 : vector<4096x80xf32> to vector<1x4096x80xf32>
    tpu.vector_store %arg4[%swap3A_103, %swap3A_104, %swap3A_105], %swap3A_108 {strides = array<i32>} : memref<1x4096x80xf32, #tpu.memory_space<vmem>>, vector<1x4096x80xf32>,
    return
  }
  func.func @transform_0(%arg0: i32) -> (i32, i32, i32) {
    %c0_i32 = arith.constant 0 : i32
    %c0_i32_0 = arith.constant 0 : i32
    %c0_i32_1 = arith.constant 0 : i32
    return %arg0, %c0_i32, %c0_i32_0 : i32, i32, i32
  }
  func.func @transform_1(%arg0: i32) -> (i32, i32, i32) {
    %c0_i32 = arith.constant 0 : i32
    %c0_i32_0 = arith.constant 0 : i32
    %c0_i32_1 = arith.constant 0 : i32
    return %arg0, %c0_i32, %c0_i32_0 : i32, i32, i32
  }
  func.func @transform_2(%arg0: i32) -> (i32, i32, i32) {
    %c0_i32 = arith.constant 0 : i32
    %c0_i32_0 = arith.constant 0 : i32
    %c0_i32_1 = arith.constant 0 : i32
    return %arg0, %c0_i32, %c0_i32_0 : i32, i32, i32
  }
  func.func @transform_3(%arg0: i32) -> (i32, i32, i32) {
    %c0_i32 = arith.constant 0 : i32
    %c0_i32_0 = arith.constant 0 : i32
    %c0_i32_1 = arith.constant 0 : i32
    return %arg0, %c0_i32, %c0_i32_0 : i32, i32, i32
  }
}

</mosaic_0001>

<sc_bundles>
// kernel: sparse-core-data-format-call.1.cloned.1.call-start
scs
called_computation.1_lowered:
.L_overlay_start_0:
0x0: {  	s2 =	sld [smem:$0x3FD9]  }
0x1: {  	s3 =	sld [smem:$0x3FFE];
	_ =	sdelay $0x1  }
0x2: {  	s1 =	srdreg.scid  }
0x3: {  	s0 =	sand.u32 $0x1, s1  }
0x4: {  	s18 =	sshll.u32 s0, $0xA;
	s2 =	sadd.s32 s3, s2  }
0x5: {  	s2 =	sadd.s32 s2, s18  }
0x6: {  	[smem:$0x3FC7] =	sst s2  }
0x7: {  	_ = 	snop  }
0x8: {  	s2 =	sld [smem:$0x3FC9];
	(tm) =	ssettm $0x1  }
0x9: {  	s19 =	sld [smem:$0x3FFB];
	_ =	sdelay $0x3  }
0xa: {  	_ =	strace s19  }
0xb: {  	s3 =	sld [smem:$0x3FFC];
	_ =	sdelay $0x3  }
0xc: {  	_ =	strace s3  }
0xd: {  	s3 =	sld [smem:$0x3FFD];
	_ =	sdelay $0x3  }
0xe: {  	_ =	strace s3  }
0xf: {  	_ =	strace $0x8FFFFFFF  }
0x10: {  	s20 =	sld [smem:$0x3FDB];
	_ =	sdelay $0x1  }
0x11: {  	s4 =	simm.s32 $_scs_section_size  }
0x12: {  	s5 =	simm.s32 $_size__tile_overlayer_lowered;
	s6 =	simm.s32 $_tile_overlayer_lowered  }
0x13: {  	s23 =	simm.s32 $0x1BFF;
	s22 =	sshll.u32 s6, $0x1;
	s3 =	sadd.s32 s4, s20  }
0x14: {  	s7 =	simm.s32 $0x0;
	s21 =	sshll.u32 s5, $0x1;
	s5 =	sadd.s32 s22, s3  }
0x15: {  	[timem:s7], [sflag:s23] =	dma.local [hbm:s5], s21  }
0x16: {  	_ =	swait.ge [sflag:s23], s21  }
0x17: {  	s4 =	ssub.s32 $0x0, s21;
	[sflag:s23] =	ssyncset.done $0x0  }
0x18: {  	[sflag:s23] =	ssyncadd.s32 s4;
	_ =	sdelay $0x1  }
0x19: {  	s24 =	simm.s32 $0x1B8B  }
0x1a: {  	_ =	swait.ge [sflag:s24], $0x1  }
0x1b: {  	[sflag:s24] =	ssyncset.done $0x0  }
0x1c: {  	s26 =	simm.s32 $0x1B8E;
	s25 =	sld [smem:$0x3FFE];
	[sflag:s24] =	ssyncadd.s32 $0xFFFFFFFF  }
0x1d: {  	s27 =	simm.s32 $execute0_lowered;
	[smem:$0x3FD2] =	sst s26  }
0x1e: {  	s5 =	sshll.u32 s27, $0x1;
	_ =	strace $0x80000046;
	[dreg:$0x1] =	wrdreg $0xFFFFFFFF  }
0x1f: {  	s28 =	simm.s32 $_size_execute0_lowered;
	s3 =	sadd.s32 s3, s5;
	[dreg:$0x0] =	wrdreg $0x0  }
0x20: {  	s5 =	sshll.u32 s28, $0x1;
	[dreg:$0x2] =	wrdreg s3  }
0x21: {  	[dreg:$0x3] =	wrdreg s5  }
0x22: {  	[dreg:$0x4] =	wrdreg $0xC0  }
0x23: {  	_ =	task [dreg:s7], $0x5FFFF  }
0x24: {  	[dreg:$0x1] =	wrdreg $0xFFFFFFFF  }
0x25: {  	[dreg:$0x0] =	wrdreg $0x60  }
0x26: {  	[dreg:$0x2] =	wrdreg s2  }
0x27: {  	[dreg:$0x3] =	wrdreg s25  }
0x28: {  	[dreg:$0x4] =	wrdreg $0x9  }
0x29: {  	_ =	task.clear_ibuf [dreg:s7], $0x5FFFF;
	_ =	strace $0x90000046  }
0x2a: {  	s29 =	simm.s32 $0x9;
	_ =	strace $0x80000048  }
0x2b: {  	_ =	swait.ge [sflag:s29], $0x1  }
0x2c: {  	[sflag:s29] =	ssyncadd.s32 $0xFFFFFFFF  }
0x2d: {  	_ =	strace $0x90000048  }
0x2e: {  	_ =	sfence  }
0x2f: {  	s30 =	sld [smem:$0x0];
	_ =	sdelay $0x2  }
0x30: {  	s31 =	sshll.u32 s1, $0xD;
	s1 =	sshrl.u32 s1, $0x2  }
0x31: {  	s3 =	sand.u32 $0x4000, s31;
	s1 =	sadd.s32 s1, s30  }
0x32: {  	s0 =	sor.u32 s3, s0;
	s1 =	sshll.u32 s1, $0x11  }
0x33: {  	s0 =	sor.u32 s1, s0  }
0x34: {  	s0 =	sadd.s32 $0x8F2B, s0  }
0x35: {  	[sflag:s0] =	ssyncadd.remote.s32 $0x1  }
0x36: {  	_ =	sfence.sel $0xFFFF  }
0x37: {  	[dreg:$0x0] =	wrdreg $0xFFFFFFFF;
	(pc) =	sbr.abs _section_cstart, $3  }
0x38: {  	[dreg:$0x1] =	wrdreg $0xFFFFFFFF  }
0x39: {  	_ =	task.clear_ibuf [dreg:s7], $0x2FFFF;
	_ =	strace $0x9FFFFFFF  }
0x3a: {  	(tm) =	ssettm $0x7FFFFFFF  }
0x3b: {  	_ =	shalt  }
tec
execute0_lowered:
.L_overlay_start_1:
0x0: {  	(tag) =	ssettag $0x1  }
0x1: {  	s1 =	rddreg [dreg:$0x0]  }
0x2: {  	s3 =	rddreg [dreg:$0x1];
	s2 =	srdreg.scid  }
0x3: {  	s0 =	rddreg [dreg:$0x2];
	_ =	strace $0x80000047;
	s5 =	simm.s32 $0x1  }
0x4: {  	s7 =	simm.s32 $0x2;
	s15 =	simm.s32 $0x0;
	p0 =	por $0x0, $0x0  }
0x5: {  	s8 =	simm.s32 $0x40;
	s9 =	simm.s32 $0x2000;
	s16 =	simm.s32 $0x0  }
.Ltmp0:
0x6: {  	s10 =	simm.s32 $0x0;
	s2 =	sand.u32 $0x1, s2;
	(pc) =	sbr.rel .LBB1_1-.Ltmp0, $4  }
0x7: {  	s11 =	simm.s32 $0x0;
	s13 =	stileid.u32;
	s6 =	ssub.s32 $0x40, s2  }
0x8: {  	s14 =	simm.s32 $0x0;
	s4 =	sadd.s32 $0xA00, s3;
	s31 =	sshrl.u32 s6, $0x1  }
0x9: {  	[sflag:s5] =	ssyncpa.u1 $0x0;
	s3 =	stileid.u32;
	s6 =	ssub.s32 s6, s31  }
0xa: {  	[sflag:s7] =	ssyncpa.u1 $0x0;
	s12 =	smov.u32 s2;
	s7 =	sadd.s32 $0x1, s6  }
.LBB1_4:
0xb: {  	_ =	sdelay $0x3  }
0xc: {  	s24 =	sor.u32 s27, s26;
	v47 =	vld.idx.msk [tilespmem:v0+s19+$0x470 ss:$0x1], $0xffff  }
0xd: {  	v57 =	vld.idx.msk [tilespmem:v0+s24+$0x410 ss:$0x1], $0xffff  }
0xe: {  	[tilespmem:s21+$0x1860 ss:$0x41] =	vst.msk $0xffff, v8;
	v58 =	vld.idx.msk [tilespmem:v0+s24+$0x420 ss:$0x1], $0xffff  }
0xf: {  	[tilespmem:s21+$0x1C70 ss:$0x41] =	vst.msk $0xffff, v7;
	v59 =	vld.idx.msk [tilespmem:v0+s24+$0x430 ss:$0x1], $0xffff  }
0x10: {  	[tilespmem:s21+$0x2490 ss:$0x41] =	vst.msk $0xffff, v1;
	v60 =	vld.idx.msk [tilespmem:v0+s24+$0x440 ss:$0x1], $0xffff  }
0x11: {  	[tilespmem:s21+$0x28A0 ss:$0x41] =	vst.msk $0xffff, v2;
	s25 =	sand.u32 $0x3B00, s24;
	v61 =	vld.idx.msk [tilespmem:v0+s24+$0x450 ss:$0x1], $0xffff  }
0x12: {  	s23 =	sand.u32 $0x80, s23;
	[tilespmem:s21+$0x2CB0 ss:$0x41] =	vst.msk $0xffff, v3;
	v62 =	vld.idx.msk [tilespmem:v0+s24+$0x460 ss:$0x1], $0xffff;
	s18 =	sadd.s32 s25, s18  }
0x13: {  	[tilespmem:s21+$0x30C0 ss:$0x41] =	vst.msk $0xffff, v4;
	v63 =	vld.idx.msk [tilespmem:v0+s24+$0x470 ss:$0x1], $0xffff;
	s18 =	sadd.s32 s23, s18  }
0x14: {  	[tilespmem:s21+$0x34D0 ss:$0x41] =	vst.msk $0xffff, v5;
	v48 =	vld [tilespmem:s18+$0x400]  }
0x15: {  	s22 =	sshra.s32 s22, $0x2;
	[tilespmem:s21+$0x38E0 ss:$0x41] =	vst.msk $0xffff, v6;
	v49 =	vld [tilespmem:s18+$0x0]  }
0x16: {  	s19 =	sadd.s32 s22, s20;
	v50 =	vld [tilespmem:s18+$0x10];
	[tilespmem:s21+$0x3CF0 ss:$0x41] =	vst.msk $0xffff, v47  }
0x17: {  	v51 =	vld [tilespmem:s18+$0x20];
	[tilespmem:s19+$0x2490 ss:$0x41] =	vst.msk $0xffff, v57  }
0x18: {  	v52 =	vld [tilespmem:s18+$0x30];
	[tilespmem:s19+$0x28A0 ss:$0x41] =	vst.msk $0xffff, v58  }
0x19: {  	v53 =	vld [tilespmem:s18+$0x40];
	[tilespmem:s19+$0x2CB0 ss:$0x41] =	vst.msk $0xffff, v59  }
0x1a: {  	v54 =	vld [tilespmem:s18+$0x50];
	[tilespmem:s19+$0x30C0 ss:$0x41] =	vst.msk $0xffff, v60  }
0x1b: {  	p1 =	sgt.s32 s11, $0xF;
	s23 =	sshra.s32 s11, $0x1F;
	v55 =	vld [tilespmem:s18+$0x60];
	[tilespmem:s19+$0x34D0 ss:$0x41] =	vst.msk $0xffff, v61  }
0x1c: {  	s25 =	sshra.s32 s10, $0x1F;
	v56 =	vld [tilespmem:s18+$0x70];
	s18 =	smov.u32 s11;
	s20 =	sand.u32 s23, s11;
	[tilespmem:s19+$0x38E0 ss:$0x41] =	vst.msk $0xffff, v62  }
0x1d: {  	s18 =	simm.s32 @!p1 $0xF;
	p1 =	sgt.s32 s10, $0x3F;
	s21 =	smov.u32 s10;
	[tilespmem:s19+$0x3CF0 ss:$0x41] =	vst.msk $0xffff, v63  }
0x1e: {  	s26 =	sand.u32 s25, s10;
	s18 =	ssub.s32 s18, s20;
	s21 =	simm.s32 @!p1 $0x3F;
	[tilespmem:s19+$0x2080 ss:$0x41] =	vst.msk $0xffff, v48  }
0x1f: {  	s27 =	ssub.s32 $0x10, s18;
	s20 =	ssub.s32 s21, s26;
	[tilespmem:s19+$0x0 ss:$0x41] =	vst.msk $0xffff, v49  }
0x20: {  	s18 =	sadd.s32 $0xFFFFFFF1, s18;
	s21 =	smul.u32 $0xFF, s27;
	s20 =	sadd.s32 $0xFFFFFFC1, s20;
	[tilespmem:s19+$0x410 ss:$0x41] =	vst.msk $0xffff, v50  }
0x21: {  	p1 =	sgt.s32 s18, $0x0;
	[tilespmem:s19+$0x820 ss:$0x41] =	vst.msk $0xffff, v51;
	s28 =	sshll.u32 s20, $0x6  }
0x22: {  	[tilespmem:s19+$0xC30 ss:$0x41] =	vst.msk $0xffff, v52;
	s21 =	simm.s32 @p1 $0x0;
	p1 =	sgt.s32 s20, $0x0;
	s18 =	ssub.s32 $0x40, s28  }
0x23: {  	s29 =	smul.u32 $0x3FC00, s11;
	[tilespmem:s19+$0x1040 ss:$0x41] =	vst.msk $0xffff, v53;
	s18 =	simm.s32 @p1 $0x0  }
0x24: {  	s30 =	sshll.u32 s10, $0x4;
	[tilespmem:s19+$0x1450 ss:$0x41] =	vst.msk $0xffff, v54;
	s18 =	smul.u32 s21, s18  }
0x25: {  	[tilespmem:s19+$0x1860 ss:$0x41] =	vst.msk $0xffff, v55;
	s20 =	sadd.s32 s4, s29;
	s21 =	sand.u32 $0x3F0, s30  }
0x26: {  	[tilespmem:s19+$0x1C70 ss:$0x41] =	vst.msk $0xffff, v56;
	s31 =	sadd.s32 s21, s20;
	s18 =	sand.u32 $0x3FFFFFC0, s18  }
0x27: {  	[hbm4b:s31+s8] =	stream.strided.scatter [tilespmem:s17], [sflag:$0x2], s18, s9, s8, $0x18;
	[tilespmem:$0x10200] =	vst v63  }
.LBB1_5:
0x28: {  	p1 =	slt.u32 s14, $0x2  }
0x29: {  	p2 =	sgt.s32 @!p1 s16, $0xF  }
0x2a: {  	s17 =	smov.u32 s16;
	s18 =	sshra.s32 @!p1 s16, $0x1F;
	p2 =	por !p2, p1  }
0x2b: {  	s19 =	sshra.s32 @!p1 s15, $0x1F;
	s17 =	simm.s32 @p2 $0xF;
	p2 =	sgt.s32 @!p1 s15, $0x3F  }
0x2c: {  	s16 =	sand.u32 @!p1 s18, s16;
	s18 =	smov.u32 s15;
	p2 =	por !p2, p1  }
0x2d: {  	s15 =	sand.u32 @!p1 s19, s15;
	s16 =	ssub.s32 @!p1 s17, s16;
	s18 =	simm.s32 @p2 $0x3F  }
0x2e: {  	s19 =	smov.u32 s13;
	s17 =	sadd.s32 @!p1 $0xFFFFFFF1, s16;
	s15 =	ssub.s32 @!p1 s18, s15  }
0x2f: {  	s16 =	ssub.s32 @!p1 $0x10, s16;
	p2 =	sgt.s32 @!p1 s17, $0x0;
	s15 =	sadd.s32 @!p1 $0xFFFFFFC1, s15  }
0x30: {  	s16 =	smul.u32 @!p1 $0xFF, s16;
	p3 =	sgt.s32 @!p1 s15, $0x0;
	s15 =	sshll.u32 @!p1 s15, $0x6  }
0x31: {  	p2 =	por !p2, p1;
	s15 =	ssub.s32 @!p1 $0x40, s15;
	p3 =	por !p3, p1  }
0x32: {  	s17 =	sadd.s32 $0x2, s12;
	s16 =	simm.s32 @!p2 $0x0;
	s15 =	simm.s32 @!p3 $0x0  }
0x33: {  	p2 =	sgt.s32 s17, $0x3F;
	s15 =	smul.u32 @!p1 s16, s15;
	s16 =	sadd.s32 $0x10, s13  }
0x34: {  	s19 =	smov.u32 @p2 s16  }
0x35: {  	s17 =	smov.u32 @p2 s2;
	p2 =	sgt.s32 s19, $0xF  }
0x36: {  	s19 =	smov.u32 @p2 s3;
	p2 =	sne.s32 s14, s7  }
.Ltmp1:
0x37: {  	p0 =	por !p0, !p0;
	s18 =	simm.s32 @!p1 $0x2;
	(pc) =	sbr.rel @!p2 .LBB1_6-.Ltmp1, $4  }
0x38: {  	s16 =	smov.u32 s11;
	s11 =	smov.u32 s13;
	s15 =	sand.u32 @!p1 $0x3FFFFFC0, s15  }
0x39: {  	_ =	swait.ge @!p1 [sflag:s18], s15;
	s20 =	ssub.s32 @!p1 $0x0, s15;
	s15 =	smov.u32 s10  }
0x3a: {  	s14 =	sadd.s32 $0x1, s14;
	s10 =	smov.u32 s12;
	[sflag:s18] =	ssyncset.done @!p1 $0x0  }
0x3b: {  	s12 =	smov.u32 s17;
	s13 =	smov.u32 s19;
	[sflag:s18] =	ssyncadd.s32 @!p1 s20  }
.LBB1_1:
0x3c: {  	p1 =	sge.u32 s14, s6  }
0x3d: {  	s31 =	sadd.s32 $0xFFFFFFFF, s14;
	s17 =	sxor.u32 @!p1 $0xFFFFFFFF, s14;
	s18 =	sshll.u32 @!p1 s13, $0x11  }
0x3e: {  	s19 =	sshll.u32 @!p1 s12, $0xB;
	s17 =	sshll.u32 @!p1 s17, $0xE;
	s18 =	sadd.s32 @!p1 s1, s18  }
0x3f: {  	s17 =	sand.u32 @!p1 $0x4000, s17;
	s18 =	sadd.s32 @!p1 s19, s18;
	s19 =	simm.s32 @!p1 $0x0  }
0x40: {  	[tilespmem:s17], [sflag:$0x1] =	stream.linear.gather @!p1 [hbm4b:s18+s19], $0x4000, $0x38;
	[tilespmem:$0x10200] =	vst v63  }
0x41: {  	p1 =	sge.u32 s31, s6  }
.Ltmp2:
0x42: {  	_ = 	snop;
	(pc) =	sbr.rel @p1 .LBB1_5-.Ltmp2, $1  }
0x43: {  	_ =	sdelay $0x3  }
0x44: {  	s20 =	simm.s32 $0x0  }
0x45: {  	s19 =	sand.u32 $0x3800, s20;
	s21 =	sand.u32 $0x380, s20  }
0x46: {  	s17 =	sand.u32 $0x1, s14;
	s19 =	sor.u32 s21, s19  }
0x47: {  	_ =	swait.ge [sflag:s5], $0x4000;
	s18 =	sshll.u32 s17, $0xE;
	s21 =	sand.u32 $0x3B00, s19  }
0x48: {  	[sflag:s5] =	ssyncset.done $0x0;
	s20 =	sand.u32 $0x80, s20;
	s21 =	sadd.s32 s21, s18  }
0x49: {  	[sflag:s5] =	ssyncadd.s32 $0xFFFFC000;
	s23 =	sadd.s32 s20, s21  }
0x4a: {  	v4 =	vld [tilespmem:s23+$0x400]  }
0x4b: {  	s22 =	simm.s32 $0x1;
	v5 =	vld [tilespmem:s23+$0x0]  }
0x4c: {  	s22 =	simm.s32 @!p0 $0x0;
	v6 =	vld [tilespmem:s23+$0x10]  }
0x4d: {  	v0 =	vmov s18;
	s31 =	smul.u32 $0x10400, s22;
	v7 =	vld [tilespmem:s23+$0x20]  }
0x4e: {  	v9 =	vld [tilespmem:s23+$0x30]  }
0x4f: {  	s20 =	sshrl.u32 s31, $0x2;
	v10 =	vld [tilespmem:s23+$0x40]  }
0x50: {  	s20 =	sor.u32 $0x8000, s20;
	v11 =	vld [tilespmem:s23+$0x50]  }
0x51: {  	v8 =	vld [tilespmem:s23+$0x60];
	s21 =	sadd.s32 $0x0, s20  }
0x52: {  	v1 =	vld.idx.msk [tilespmem:v0+s19+$0x410 ss:$0x1], $0xffff;
	[tilespmem:s21+$0x2080 ss:$0x41] =	vst.msk $0xffff, v4  }
0x53: {  	v2 =	vld.idx.msk [tilespmem:v0+s19+$0x420 ss:$0x1], $0xffff;
	[tilespmem:s21+$0x0 ss:$0x41] =	vst.msk $0xffff, v5  }
0x54: {  	v3 =	vld.idx.msk [tilespmem:v0+s19+$0x430 ss:$0x1], $0xffff;
	[tilespmem:s21+$0x410 ss:$0x41] =	vst.msk $0xffff, v6  }
0x55: {  	s17 =	smul.u32 $0x10400, s17;
	[tilespmem:s21+$0x820 ss:$0x41] =	vst.msk $0xffff, v7;
	v7 =	vld [tilespmem:s23+$0x70]  }
0x56: {  	s24 =	simm.s32 $0x100;
	s25 =	simm.s32 $0x8;
	[tilespmem:s21+$0xC30 ss:$0x41] =	vst.msk $0xffff, v9;
	v4 =	vld.idx.msk [tilespmem:v0+s19+$0x440 ss:$0x1], $0xffff  }
0x57: {  	s26 =	sand.u32 $0x3800, s24;
	s17 =	sshrl.u32 s17, $0x2;
	[tilespmem:s21+$0x1040 ss:$0x41] =	vst.msk $0xffff, v10;
	v5 =	vld.idx.msk [tilespmem:v0+s19+$0x450 ss:$0x1], $0xffff;
	s23 =	simm.s32 $0x80  }
0x58: {  	s22 =	simm.s32 $0x4;
	s17 =	sor.u32 $0x8000, s17;
	[tilespmem:s21+$0x1450 ss:$0x41] =	vst.msk $0xffff, v11;
	v6 =	vld.idx.msk [tilespmem:v0+s19+$0x460 ss:$0x1], $0xffff;
	s27 =	sand.u32 $0x380, s23  }
.LBB1_3:
0x59: {  	p1 =	sne.s32 s25, $0xFC;
	[tilespmem:s21+$0x1860 ss:$0x41] =	vst.msk $0xffff, v8;
	v8 =	vld.idx.msk [tilespmem:v0+s19+$0x470 ss:$0x1], $0xffff;
	s19 =	sor.u32 s27, s26  }
0x5a: {  	s26 =	sand.u32 $0x3B00, s19;
	v9 =	vld.idx.msk [tilespmem:v0+s19+$0x410 ss:$0x1], $0xffff;
	[tilespmem:s21+$0x1C70 ss:$0x41] =	vst.msk $0xffff, v7  }
0x5b: {  	s27 =	sand.u32 $0x80, s23;
	s26 =	sadd.s32 s26, s18;
	v7 =	vld.idx.msk [tilespmem:v0+s19+$0x420 ss:$0x1], $0xffff;
	[tilespmem:s21+$0x2490 ss:$0x41] =	vst.msk $0xffff, v1  }
0x5c: {  	s26 =	sadd.s32 s27, s26;
	v10 =	vld.idx.msk [tilespmem:v0+s19+$0x430 ss:$0x1], $0xffff;
	[tilespmem:s21+$0x28A0 ss:$0x41] =	vst.msk $0xffff, v2  }
0x5d: {  	v11 =	vld [tilespmem:s26+$0x400];
	[tilespmem:s21+$0x2CB0 ss:$0x41] =	vst.msk $0xffff, v3  }
0x5e: {  	v12 =	vld [tilespmem:s26+$0x0];
	[tilespmem:s21+$0x30C0 ss:$0x41] =	vst.msk $0xffff, v4  }
0x5f: {  	v4 =	vld [tilespmem:s26+$0x10];
	[tilespmem:s21+$0x34D0 ss:$0x41] =	vst.msk $0xffff, v5  }
0x60: {  	s27 =	sshra.s32 s22, $0x2;
	s22 =	smov.u32 s25;
	v1 =	vmov v9;
	v5 =	vld [tilespmem:s26+$0x20];
	[tilespmem:s21+$0x38E0 ss:$0x41] =	vst.msk $0xffff, v6  }
0x61: {  	v2 =	vmov v7;
	v6 =	vld [tilespmem:s26+$0x30];
	[tilespmem:s21+$0x3CF0 ss:$0x41] =	vst.msk $0xffff, v8;
	s21 =	sadd.s32 s27, s20  }
0x62: {  	v3 =	vmov v10;
	v9 =	vld [tilespmem:s26+$0x40];
	[tilespmem:s21+$0x2080 ss:$0x41] =	vst.msk $0xffff, v11  }
0x63: {  	[tilespmem:s21+$0x0 ss:$0x41] =	vst.msk $0xffff, v12;
	v10 =	vld [tilespmem:s26+$0x50]  }
.Ltmp3:
0x64: {  	[tilespmem:s21+$0x410 ss:$0x41] =	vst.msk $0xffff, v4;
	v8 =	vld [tilespmem:s26+$0x60];
	(pc) =	sbr.rel @p1 .LBB1_3-.Ltmp3, $4  }
0x65: {  	[tilespmem:s21+$0x820 ss:$0x41] =	vst.msk $0xffff, v5;
	v7 =	vld [tilespmem:s26+$0x70]  }
0x66: {  	[tilespmem:s21+$0xC30 ss:$0x41] =	vst.msk $0xffff, v6;
	v4 =	vld.idx.msk [tilespmem:v0+s19+$0x440 ss:$0x1], $0xffff  }
0x67: {  	s23 =	sadd.s32 $0x80, s23;
	s24 =	sadd.s32 $0x100, s24;
	[tilespmem:s21+$0x1040 ss:$0x41] =	vst.msk $0xffff, v9;
	v5 =	vld.idx.msk [tilespmem:v0+s19+$0x450 ss:$0x1], $0xffff  }
0x68: {  	s25 =	sadd.s32 $0x4, s25;
	s27 =	sand.u32 $0x380, s23;
	s26 =	sand.u32 $0x3800, s24;
	[tilespmem:s21+$0x1450 ss:$0x41] =	vst.msk $0xffff, v10;
	v6 =	vld.idx.msk [tilespmem:v0+s19+$0x460 ss:$0x1], $0xffff  }
.Ltmp4:
0x69: {  	_ = 	snop;
	(pc) =	sbr.rel .LBB1_4-.Ltmp4, $1  }
0x6a: {  	_ =	sdelay $0x3  }
.LBB1_6:
0x6b: {  	_ =	sfence.sel $0x180000  }
0x6c: {  	s1 =	simm.s32 $0x1;
	[bflag:$0x0] =	sbarrier.arrive $0xFFFF  }
0x6d: {  	s31 =	simm.s32 $0x2;
	[sflag:s1] =	ssyncpa.u1 $0x1  }
0x6e: {  	[sflag:s31] =	ssyncpa.u1 $0x1  }
0x6f: {  	p0 =	sne.s32 s3, $0x0;
	_ =	strace $0x90000047  }
0x70: {  	s0 =	sadd.s32 @!p0 $0x100000, s0;
	[bflag:$0x2] =	sbarrier.arrive $0xFFFF  }
0x71: {  	[sflag:s0] =	ssyncadd.tile.s32 @!p0 $0x1;
	_ =	shalt  }
.Lfunc_end1:
_tile_overlayer_lowered:
.L_overlay_start_2:
0x72: {  	(tag) =	ssettag $0x2  }
0x73: {  	s0 =	rddreg [dreg:$0x0];
	s2 =	stileid.u32  }
0x74: {  	s1 =	rddreg [dreg:$0x1];
	p0 =	sne.s32 s2, $0x0  }
0x75: {  	s3 =	rddreg [dreg:$0x2];
	[bflag:$0x3] =	sbarrier.arrive $0xFFFF;
	s2 =	simm.s32 @!p0 $0x1C01  }
0x76: {  	[timem:s3], [sflag:s2] =	dma.local @!p0 [hbm:s0], s1  }
0x77: {  	s0 =	simm.s32 @!p0 $0x1  }
0x78: {  	_ =	swait.ge @!p0 [sflag:s0], s1  }
0x79: {  	s1 =	ssub.s32 @!p0 $0x0, s1;
	[sflag:s0] =	ssyncset.done @!p0 $0x0  }
0x7a: {  	[sflag:s0] =	ssyncadd.s32 @!p0 s1  }
0x7b: {  	[bflag:$0x3] =	sbarrier.arrive $0xFFFF  }
0x7c: {  	_ =	shalt  }

// kernel: sparse-core-data-format-call.cloned.1.call-start
scs
called_computation_lowered:
.L_overlay_start_0:
0x0: {  	s2 =	sld [smem:$0x3FD9]  }
0x1: {  	s3 =	sld [smem:$0x3FFE];
	_ =	sdelay $0x1  }
0x2: {  	s1 =	srdreg.scid  }
0x3: {  	s0 =	sand.u32 $0x1, s1  }
0x4: {  	s15 =	sshll.u32 s0, $0xA;
	s2 =	sadd.s32 s3, s2  }
0x5: {  	s2 =	sadd.s32 s2, s15  }
0x6: {  	[smem:$0x3FC7] =	sst s2  }
0x7: {  	_ = 	snop  }
0x8: {  	s2 =	sld [smem:$0x3FD0];
	_ =	sdelay $0x2  }
0x9: {  	s16 =	simm.s32 $0xA;
	s4 =	simm.s32 $0x10  }
0xa: {  	[smem:s4], [sflag:s16] =	dma.local [hbm:s2], $0x1  }
0xb: {  	_ =	swait.eq [sflag:s16], $0x1  }
0xc: {  	[sflag:s16] =	ssyncset.done $0x0  }
0xd: {  	[sflag:s16] =	ssyncadd.s32 $0xFFFFFFFF  }
0xe: {  	s17 =	sld [smem:$0x12];
	(tm) =	ssettm $0x1  }
0xf: {  	s18 =	sld [smem:$0x3FFB];
	_ =	sdelay $0x3  }
0x10: {  	_ =	strace s18  }
0x11: {  	s3 =	sld [smem:$0x3FFC];
	_ =	sdelay $0x3  }
0x12: {  	_ =	strace s3  }
0x13: {  	s3 =	sld [smem:$0x3FFD];
	_ =	sdelay $0x3  }
0x14: {  	_ =	strace s3  }
0x15: {  	_ =	strace $0x8FFFFFFF  }
0x16: {  	s19 =	sld [smem:$0x3FDB];
	_ =	sdelay $0x1  }
0x17: {  	s20 =	simm.s32 $_scs_section_size  }
0x18: {  	s5 =	simm.s32 $_size__tile_overlayer_lowered;
	s6 =	simm.s32 $_tile_overlayer_lowered  }
0x19: {  	s23 =	simm.s32 $0x1BFF;
	s22 =	sshll.u32 s6, $0x1;
	s3 =	sadd.s32 s20, s19  }
0x1a: {  	s7 =	simm.s32 $0x0;
	s21 =	sshll.u32 s5, $0x1;
	s5 =	sadd.s32 s22, s3  }
0x1b: {  	[timem:s7], [sflag:s23] =	dma.local [hbm:s5], s21  }
0x1c: {  	_ =	swait.ge [sflag:s23], s21  }
0x1d: {  	s4 =	ssub.s32 $0x0, s21;
	[sflag:s23] =	ssyncset.done $0x0  }
0x1e: {  	[sflag:s23] =	ssyncadd.s32 s4;
	_ =	sdelay $0x1  }
0x1f: {  	s24 =	simm.s32 $0x1B8B  }
0x20: {  	_ =	swait.ge [sflag:s24], $0x1  }
0x21: {  	[sflag:s24] =	ssyncset.done $0x0  }
0x22: {  	s26 =	simm.s32 $0x1B8E;
	s25 =	sld [smem:$0x3FFE];
	[sflag:s24] =	ssyncadd.s32 $0xFFFFFFFF  }
0x23: {  	s27 =	simm.s32 $execute0_lowered;
	[smem:$0x3FD2] =	sst s26  }
0x24: {  	s5 =	sshll.u32 s27, $0x1;
	_ =	strace $0x80000049;
	[dreg:$0x1] =	wrdreg $0xFFFFFFFF  }
0x25: {  	s28 =	simm.s32 $_size_execute0_lowered;
	s3 =	sadd.s32 s3, s5;
	[dreg:$0x0] =	wrdreg $0x0  }
0x26: {  	s5 =	sshll.u32 s28, $0x1;
	[dreg:$0x2] =	wrdreg s3  }
0x27: {  	[dreg:$0x3] =	wrdreg s5  }
0x28: {  	[dreg:$0x4] =	wrdreg $0xC0  }
0x29: {  	_ =	task [dreg:s7], $0x5FFFF  }
0x2a: {  	[dreg:$0x1] =	wrdreg $0xFFFFFFFF  }
0x2b: {  	[dreg:$0x0] =	wrdreg $0x60  }
0x2c: {  	[dreg:$0x2] =	wrdreg s25  }
0x2d: {  	[dreg:$0x3] =	wrdreg s17  }
0x2e: {  	[dreg:$0x4] =	wrdreg $0x9  }
0x2f: {  	_ =	task.clear_ibuf [dreg:s7], $0x5FFFF;
	_ =	strace $0x90000049  }
0x30: {  	s29 =	simm.s32 $0x9;
	_ =	strace $0x8000004B  }
0x31: {  	_ =	swait.ge [sflag:s29], $0x1  }
0x32: {  	[sflag:s29] =	ssyncadd.s32 $0xFFFFFFFF  }
0x33: {  	_ =	strace $0x9000004B  }
0x34: {  	_ =	sfence  }
0x35: {  	s30 =	sld [smem:$0x0];
	_ =	sdelay $0x2  }
0x36: {  	s31 =	sshll.u32 s1, $0xD;
	s1 =	sshrl.u32 s1, $0x2  }
0x37: {  	s3 =	sand.u32 $0x4000, s31;
	s1 =	sadd.s32 s1, s30  }
0x38: {  	s0 =	sor.u32 s3, s0;
	s1 =	sshll.u32 s1, $0x11  }
0x39: {  	s0 =	sor.u32 s1, s0  }
0x3a: {  	s0 =	sadd.s32 $0x8F2B, s0  }
0x3b: {  	[sflag:s0] =	ssyncadd.remote.s32 $0x1  }
0x3c: {  	_ =	sfence.sel $0xFFFF  }
0x3d: {  	[dreg:$0x0] =	wrdreg $0xFFFFFFFF;
	(pc) =	sbr.abs _section_cstart, $3  }
0x3e: {  	[dreg:$0x1] =	wrdreg $0xFFFFFFFF  }
0x3f: {  	_ =	task.clear_ibuf [dreg:s7], $0x2FFFF;
	_ =	strace $0x9FFFFFFF  }
0x40: {  	(tm) =	ssettm $0x7FFFFFFF  }
0x41: {  	_ =	shalt  }
tec
execute0_lowered:
.L_overlay_start_1:
0x0: {  	(tag) =	ssettag $0x1  }
0x1: {  	s3 =	rddreg [dreg:$0x0];
	s0 =	srdreg.scid  }
0x2: {  	s1 =	rddreg [dreg:$0x1];
	s4 =	simm.s32 $0x1;
	s7 =	simm.s32 $0x2  }
0x3: {  	s14 =	simm.s32 $0x0;
	p0 =	por $0x0, $0x0;
	s15 =	simm.s32 $0x0  }
0x4: {  	s9 =	simm.s32 $0x0;
	s10 =	simm.s32 $0x0;
	s2 =	sshll.u32 s0, $0x7  }
0x5: {  	s12 =	stileid.u32;
	s13 =	simm.s32 $0x0;
	s2 =	sand.u32 $0x80, s2  }
.Ltmp0:
0x6: {  	s0 =	rddreg [dreg:$0x2];
	s6 =	ssub.s32 $0x3000, s2;
	(pc) =	sbr.rel .LBB1_1-.Ltmp0, $4  }
0x7: {  	_ =	strace $0x8000004A;
	s5 =	sadd.s32 $0x60CA00, s3;
	s31 =	sshrl.u32 s6, $0x7  }
0x8: {  	[sflag:s4] =	ssyncpa.u1 $0x0;
	s6 =	sshrl.u32 s6, $0x8;
	s8 =	sand.u32 $0x1, s31  }
0x9: {  	s3 =	stileid.u32;
	[sflag:s7] =	ssyncpa.u1 $0x0;
	s6 =	sadd.s32 s6, s8  }
0xa: {  	s11 =	smov.u32 s2;
	s8 =	simm.s32 $0x18000;
	s7 =	sadd.s32 $0x1, s6  }
.LBB1_4:
0xb: {  	s21 =	sshll.u32 s9, $0x3;
	s22 =	sand.u32 $0x7F, s9  }
0xc: {  	s20 =	sshra.s32 s20, $0x2;
	p1 =	sgt.s32 s10, $0xF;
	s24 =	smov.u32 s10  }
0xd: {  	s25 =	sshra.s32 s10, $0x1F;
	s27 =	smul.u32 $0x1E000, s10;
	s23 =	sand.u32 $0xFFFFFC00, s21  }
0xe: {  	s21 =	smulhi.u32 $0xAAAAAAAB, s21;
	s24 =	simm.s32 @!p1 $0xF;
	s25 =	sand.u32 s25, s10  }
0xf: {  	v5 =	vld [tilespmem:s17+$0xFFFFFFD0];
	[tilespmem:s18+$0x2040 ss:$0x81] =	vst.msk $0xffff, v4;
	s19 =	sadd.s32 s20, s19;
	p1 =	sgt.s32 s9, $0x2F80;
	s22 =	sor.u32 s22, s23  }
0x10: {  	v58 =	vld [tilespmem:s17+$0xFFFFFFE0];
	[tilespmem:s18+$0x2850 ss:$0x81] =	vst.msk $0xffff, v3;
	s28 =	ssub.s32 s24, s25;
	s23 =	smulhi.u32 $0xAAAAAAAB, s22;
	s21 =	sshrl.u32 s21, $0xD  }
0x11: {  	v59 =	vld [tilespmem:s17+$0xFFFFFFF0];
	[tilespmem:s18+$0x3060 ss:$0x81] =	vst.msk $0xffff, v2;
	s20 =	smov.u32 s9;
	s30 =	ssub.s32 $0x10, s28;
	s26 =	smulhi.u32 $0x3333334, s21  }
0x12: {  	v60 =	vld [tilespmem:s17+$0x0];
	[tilespmem:s18+$0x0 ss:$0x81] =	vst.msk $0xffff, v1;
	s31 =	sshra.s32 s9, $0x1F;
	s20 =	simm.s32 @!p1 $0x2F80;
	s18 =	smul.u32 $0x50, s30  }
0x13: {  	v61 =	vld [tilespmem:s17+$0x10];
	[tilespmem:s19+$0x3870 ss:$0x81] =	vst.msk $0xffff, v0;
	s25 =	sadd.s32 $0xFFFFFFF1, s28;
	s29 =	smul.u32 $0x50, s26;
	s26 =	sand.u32 s31, s9  }
0x14: {  	v62 =	vld [tilespmem:s17+$0x20];
	p1 =	sgt.s32 s25, $0x0;
	s23 =	sshrl.u32 s23, $0xD;
	[tilespmem:s19+$0x810 ss:$0x81] =	vst.msk $0xffff, v5;
	s20 =	ssub.s32 s20, s26  }
0x15: {  	v63 =	vld [tilespmem:s17+$0xFFFFFFC0];
	[tilespmem:s19+$0x1020 ss:$0x81] =	vst.msk $0xffff, v58;
	s23 =	smul.u32 $0x3000, s23;
	s18 =	simm.s32 @p1 $0x0;
	s26 =	sadd.s32 $0xFFFFD080, s20  }
0x16: {  	[tilespmem:s19+$0x1830 ss:$0x81] =	vst.msk $0xffff, v59;
	s25 =	ssub.s32 s21, s29;
	s20 =	ssub.s32 $0x3000, s20;
	p1 =	sgt.s32 s26, $0x7F  }
0x17: {  	[tilespmem:s19+$0x2040 ss:$0x81] =	vst.msk $0xffff, v60;
	s22 =	ssub.s32 s22, s23;
	s17 =	smul.u32 $0x600, s25;
	s20 =	simm.s32 @p1 $0x0  }
0x18: {  	s28 =	sadd.s32 s1, s27;
	[tilespmem:s19+$0x2850 ss:$0x81] =	vst.msk $0xffff, v61;
	s29 =	sand.u32 $0x7, s22;
	s18 =	smul.u32 s20, s18  }
0x19: {  	[tilespmem:s19+$0x3060 ss:$0x81] =	vst.msk $0xffff, v62;
	s30 =	sshrl.u32 s22, $0x3;
	s21 =	sshll.u32 s29, $0x12;
	s17 =	sadd.s32 s17, s28  }
0x1a: {  	[tilespmem:s19+$0x0 ss:$0x81] =	vst.msk $0xffff, v63;
	s31 =	sor.u32 $0x400, s21;
	s17 =	sadd.s32 s30, s17;
	s18 =	sand.u32 $0x3FFFFFF0, s18  }
0x1b: {  	[hbm4b:s17+s31] =	stream.strided.scatter [tilespmem:s16], [sflag:$0x2], s18, s8, s31, $0x20;
	[tilespmem:$0x10100] =	vst v63  }
.LBB1_5:
0x1c: {  	p1 =	slt.u32 s13, $0x2  }
0x1d: {  	s17 =	smov.u32 s15;
	p2 =	sgt.s32 @!p1 s15, $0xF;
	s16 =	sshra.s32 @!p1 s15, $0x1F  }
0x1e: {  	p3 =	sgt.s32 @!p1 s14, $0x2F80;
	s18 =	sshra.s32 @!p1 s14, $0x1F;
	p2 =	por !p2, p1  }
0x1f: {  	s15 =	sand.u32 @!p1 s16, s15;
	p3 =	por !p3, p1;
	s16 =	smov.u32 s14  }
0x20: {  	s14 =	sand.u32 @!p1 s18, s14;
	s17 =	simm.s32 @p2 $0xF;
	s16 =	simm.s32 @p3 $0x2F80  }
0x21: {  	s18 =	smov.u32 s12;
	s15 =	ssub.s32 @!p1 s17, s15;
	s14 =	ssub.s32 @!p1 s16, s14  }
0x22: {  	s16 =	sadd.s32 @!p1 $0xFFFFFFF1, s15;
	s15 =	ssub.s32 @!p1 $0x10, s15;
	s17 =	sadd.s32 @!p1 $0xFFFFD080, s14  }
0x23: {  	p2 =	sgt.s32 @!p1 s16, $0x0;
	s15 =	smul.u32 @!p1 $0x50, s15;
	p3 =	sgt.s32 @!p1 s17, $0x7F  }
0x24: {  	s14 =	ssub.s32 @!p1 $0x3000, s14;
	p2 =	por !p2, p1;
	p3 =	por !p3, p1  }
0x25: {  	s16 =	sadd.s32 $0x100, s11;
	s15 =	simm.s32 @!p2 $0x0;
	s14 =	simm.s32 @!p3 $0x0  }
0x26: {  	p2 =	sgt.s32 s16, $0x2FFF;
	s14 =	smul.u32 @!p1 s14, s15;
	s15 =	sadd.s32 $0x10, s12  }
0x27: {  	s18 =	smov.u32 @p2 s15  }
0x28: {  	s16 =	smov.u32 @p2 s2;
	p2 =	sgt.s32 s18, $0xF  }
0x29: {  	s18 =	smov.u32 @p2 s3;
	p2 =	sne.s32 s13, s7  }
.Ltmp1:
0x2a: {  	p0 =	por !p0, !p0;
	s17 =	simm.s32 @!p1 $0x2;
	(pc) =	sbr.rel @!p2 .LBB1_6-.Ltmp1, $4  }
0x2b: {  	s15 =	smov.u32 s10;
	s10 =	smov.u32 s12;
	s14 =	sand.u32 @!p1 $0x3FFFFFF0, s14  }
0x2c: {  	_ =	swait.ge @!p1 [sflag:s17], s14;
	s19 =	ssub.s32 @!p1 $0x0, s14;
	s14 =	smov.u32 s9  }
0x2d: {  	s13 =	sadd.s32 $0x1, s13;
	s9 =	smov.u32 s11;
	[sflag:s17] =	ssyncset.done @!p1 $0x0  }
0x2e: {  	s11 =	smov.u32 s16;
	s12 =	smov.u32 s18;
	[sflag:s17] =	ssyncadd.s32 @!p1 s19  }
.LBB1_1:
0x2f: {  	p1 =	sge.u32 s13, s6  }
0x30: {  	s16 =	sand.u32 @!p1 $0x1FFFFFF, s11  }
0x31: {  	s17 =	smulhi.u32 @!p1 $0xAAAAAB, s16;
	_ =	sdelay $0x1  }
0x32: {  	s17 =	sshrl.u32 @!p1 s17, $0x5  }
0x33: {  	s17 =	smul.u32 @!p1 $0x3000, s17  }
0x34: {  	s18 =	smul.u32 @!p1 $0x30000, s12  }
0x35: {  	s31 =	sadd.s32 $0xFFFFFFFF, s13;
	s16 =	ssub.s32 @!p1 s16, s17;
	s17 =	sxor.u32 @!p1 $0xFFFFFFFF, s13  }
0x36: {  	s18 =	sadd.s32 @!p1 s5, s18;
	s17 =	sshll.u32 @!p1 s17, $0xE;
	s16 =	sshll.u32 @!p1 s16, $0x4  }
0x37: {  	s17 =	sand.u32 @!p1 $0x4000, s17;
	s16 =	sadd.s32 @!p1 s16, s18;
	s18 =	simm.s32 @!p1 $0x0  }
0x38: {  	[tilespmem:s17], [sflag:$0x1] =	stream.linear.gather @!p1 [hbm4b:s16+s18], $0x4000, $0x38;
	[tilespmem:$0x10100] =	vst v63  }
0x39: {  	p1 =	sge.u32 s31, s6  }
.Ltmp2:
0x3a: {  	_ = 	snop;
	(pc) =	sbr.rel @p1 .LBB1_5-.Ltmp2, $1  }
0x3b: {  	_ =	sdelay $0x3  }
0x3c: {  	s16 =	simm.s32 $0x1  }
0x3d: {  	_ =	swait.ge [sflag:s4], $0x4000;
	s16 =	simm.s32 @!p0 $0x0  }
0x3e: {  	[sflag:s4] =	ssyncset.done $0x0;
	s17 =	sshll.u32 s16, $0xE  }
0x3f: {  	[sflag:s4] =	ssyncadd.s32 $0xFFFFC000;
	s17 =	sor.u32 $0x40, s17  }
0x40: {  	s16 =	smul.u32 $0x10200, s16;
	v0 =	vld [tilespmem:s17+$0x30]  }
0x41: {  	v1 =	vld [tilespmem:s17+$0xFFFFFFD0]  }
0x42: {  	s16 =	sshrl.u32 s16, $0x2;
	v5 =	vld [tilespmem:s17+$0xFFFFFFE0]  }
0x43: {  	v6 =	vld [tilespmem:s17+$0xFFFFFFF0];
	s19 =	sor.u32 $0x8000, s16  }
0x44: {  	s31 =	sand.u32 $0x1, s13;
	v4 =	vld [tilespmem:s17+$0x0];
	s18 =	sadd.s32 $0x0, s19  }
0x45: {  	v3 =	vld [tilespmem:s17+$0x10];
	s16 =	smul.u32 $0x10200, s31;
	[tilespmem:s18+$0x3870 ss:$0x81] =	vst.msk $0xffff, v0  }
0x46: {  	v2 =	vld [tilespmem:s17+$0x20];
	[tilespmem:s18+$0x810 ss:$0x81] =	vst.msk $0xffff, v1  }
0x47: {  	s16 =	sshrl.u32 s16, $0x2;
	v1 =	vld [tilespmem:s17+$0xFFFFFFC0];
	[tilespmem:s18+$0x1020 ss:$0x81] =	vst.msk $0xffff, v5;
	s17 =	sadd.s32 $0x80, s17  }
0x48: {  	s20 =	simm.s32 $0x4;
	s21 =	simm.s32 $0x8;
	s16 =	sor.u32 $0x8000, s16;
	[tilespmem:s18+$0x1830 ss:$0x81] =	vst.msk $0xffff, v6;
	v0 =	vld [tilespmem:s17+$0x30]  }
.LBB1_3:
0x49: {  	p1 =	sne.s32 s21, $0x1FC;
	v5 =	vld [tilespmem:s17+$0xFFFFFFD0];
	[tilespmem:s18+$0x2040 ss:$0x81] =	vst.msk $0xffff, v4  }
0x4a: {  	v6 =	vld [tilespmem:s17+$0xFFFFFFE0];
	[tilespmem:s18+$0x2850 ss:$0x81] =	vst.msk $0xffff, v3  }
0x4b: {  	s22 =	sshra.s32 s20, $0x2;
	s20 =	smov.u32 s21;
	v7 =	vld [tilespmem:s17+$0xFFFFFFF0];
	[tilespmem:s18+$0x3060 ss:$0x81] =	vst.msk $0xffff, v2  }
.Ltmp3:
0x4c: {  	v4 =	vld [tilespmem:s17+$0x0];
	[tilespmem:s18+$0x0 ss:$0x81] =	vst.msk $0xffff, v1;
	s18 =	sadd.s32 s22, s19;
	(pc) =	sbr.rel @p1 .LBB1_3-.Ltmp3, $4  }
0x4d: {  	v3 =	vld [tilespmem:s17+$0x10];
	[tilespmem:s18+$0x3870 ss:$0x81] =	vst.msk $0xffff, v0  }
0x4e: {  	[tilespmem:s18+$0x810 ss:$0x81] =	vst.msk $0xffff, v5;
	v2 =	vld [tilespmem:s17+$0x20]  }
0x4f: {  	v1 =	vld [tilespmem:s17+$0xFFFFFFC0];
	[tilespmem:s18+$0x1020 ss:$0x81] =	vst.msk $0xffff, v6;
	s17 =	sadd.s32 $0x80, s17  }
0x50: {  	s21 =	sadd.s32 $0x4, s21;
	v0 =	vld [tilespmem:s17+$0x30];
	[tilespmem:s18+$0x1830 ss:$0x81] =	vst.msk $0xffff, v7  }
.Ltmp4:
0x51: {  	_ = 	snop;
	(pc) =	sbr.rel .LBB1_4-.Ltmp4, $1  }
0x52: {  	_ =	sdelay $0x3  }
.LBB1_6:
0x53: {  	_ =	sfence.sel $0x180000  }
0x54: {  	s1 =	simm.s32 $0x1;
	[bflag:$0x0] =	sbarrier.arrive $0xFFFF  }
0x55: {  	s31 =	simm.s32 $0x2;
	[sflag:s1] =	ssyncpa.u1 $0x1  }
0x56: {  	[sflag:s31] =	ssyncpa.u1 $0x1  }
0x57: {  	p0 =	sne.s32 s3, $0x0;
	_ =	strace $0x9000004A  }
0x58: {  	s0 =	sadd.s32 @!p0 $0x100000, s0;
	[bflag:$0x2] =	sbarrier.arrive $0xFFFF  }
0x59: {  	[sflag:s0] =	ssyncadd.tile.s32 @!p0 $0x1;
	_ =	shalt  }
.Lfunc_end1:
_tile_overlayer_lowered:
.L_overlay_start_2:
0x5a: {  	(tag) =	ssettag $0x2  }
0x5b: {  	s0 =	rddreg [dreg:$0x0];
	s2 =	stileid.u32  }
0x5c: {  	s1 =	rddreg [dreg:$0x1];
	p0 =	sne.s32 s2, $0x0  }
0x5d: {  	s3 =	rddreg [dreg:$0x2];
	[bflag:$0x3] =	sbarrier.arrive $0xFFFF;
	s2 =	simm.s32 @!p0 $0x1C01  }
0x5e: {  	[timem:s3], [sflag:s2] =	dma.local @!p0 [hbm:s0], s1  }
0x5f: {  	s0 =	simm.s32 @!p0 $0x1  }
0x60: {  	_ =	swait.ge @!p0 [sflag:s0], s1  }
0x61: {  	s1 =	ssub.s32 @!p0 $0x0, s1;
	[sflag:s0] =	ssyncset.done @!p0 $0x0  }
0x62: {  	[sflag:s0] =	ssyncadd.s32 @!p0 s1  }
0x63: {  	[bflag:$0x3] =	sbarrier.arrive $0xFFFF  }
0x64: {  	_ =	shalt  }

</sc_bundles>
